<compile_context>
chip_gen: v7x
topology: tpu7x:2x2x1
jax: 0.10.2.dev20260603
libtpu: 0.0.44.dev20260713+nightly
codegen_flags: <defaults>
</compile_context>

<pallas_src>
import jax
import jax.numpy as jnp
from jax import lax
from jax.experimental import pallas as pl
from jax.experimental.pallas import tpu as pltpu
from jax.experimental.pallas import tpu_sc as plsc

_K = 2
_L = 16


def _perm(v, idx):
    return v.at[idx].get(mode="promise_in_bounds")


def _routing_vec(v, lane):
    big = jnp.int32(99)

    def row_max(a):
        for sh in (1, 2, 4):
            a = jnp.maximum(a, _perm(a, lane ^ sh))
        return a

    def row_min_i32(a):
        for sh in (1, 2, 4):
            a = jnp.minimum(a, _perm(a, lane ^ sh))
        return a

    def top1(a):
        m = row_max(a)
        i = row_min_i32(jnp.where(a == m, lane, big))
        return m, i

    neg = jnp.full((_L,), -jnp.inf, jnp.float32)
    m1, i1 = top1(v)
    v2 = jnp.where(lane == i1, neg, v)
    m2, i2 = top1(v2)
    scalev = 1.0 / (m1 + m2 + jnp.float32(1e-8))
    w1 = m1 * scalev
    w2 = m2 * scalev
    row_off = jnp.where(lane >= 8, jnp.int32(8), jnp.int32(0))
    i1e = i1 - row_off
    i2e = i2 - row_off
    zi = jnp.zeros((_L,), jnp.int32)
    zf = jnp.zeros((_L,), jnp.float32)
    e00, e01 = _perm(i1e, zi), _perm(i2e, zi)
    e10, e11 = _perm(i1e, zi + 8), _perm(i2e, zi + 8)
    w00, w01 = _perm(w1, zi), _perm(w2, zi)
    w10, w11 = _perm(w1, zi + 8), _perm(w2, zi + 8)
    idx16 = (jnp.where(lane == 0, e00, zi) + jnp.where(lane == 1, e01, zi)
             + jnp.where(lane == 2, e10, zi) + jnp.where(lane == 3, e11, zi))
    w16 = (jnp.where(lane == 0, w00, zf) + jnp.where(lane == 1, w01, zf)
           + jnp.where(lane == 2, w10, zf) + jnp.where(lane == 3, w11, zf))
    load16 = ((lane == e00).astype(jnp.int32) + (lane == e01).astype(jnp.int32)
              + (lane == e10).astype(jnp.int32) + (lane == e11).astype(jnp.int32))
    return idx16, w16, load16


def _routing_body(scores_hbm, load_out, s_v, l_v):
    cid = lax.axis_index("c")
    sid = lax.axis_index("s")

    @pl.when(jnp.logical_and(cid == 0, sid == 0))
    def _():
        pltpu.sync_copy(scores_hbm, s_v)
        v = s_v[:]
        lane = lax.iota(jnp.int32, _L)
        _, _, load16 = _routing_vec(v, lane)
        l_v[:] = load16
        pltpu.sync_copy(l_v.at[pl.ds(0, 8)], load_out)


@jax.jit
def _routing_call(scores_flat):
    return pl.kernel(
        _routing_body,
        out_type=jax.ShapeDtypeStruct((8,), jnp.int32),
        mesh=plsc.VectorSubcoreMesh(core_axis_name="c", subcore_axis_name="s",
                                    num_cores=1, num_subcores=1),
        compiler_params=pltpu.CompilerParams(needs_layout_passes=False),
        scratch_types=[
            pltpu.VMEM((_L,), jnp.float32),
            pltpu.VMEM((_L,), jnp.int32),
        ],
    )(scores_flat)


def _top2_scalars(sc_ref, b, E):
    m1 = sc_ref[b, 0]
    i1 = jnp.int32(0)
    for e in range(1, E):
        v = sc_ref[b, e]
        better = v > m1
        i1 = jnp.where(better, jnp.int32(e), i1)
        m1 = jnp.where(better, v, m1)
    m2 = jnp.float32(-jnp.inf)
    i2 = jnp.int32(0)
    for e in range(E):
        v = sc_ref[b, e]
        better = jnp.logical_and(v > m2, jnp.int32(e) != i1)
        i2 = jnp.where(better, jnp.int32(e), i2)
        m2 = jnp.where(better, v, m2)
    scale = 1.0 / (m1 + m2 + jnp.float32(1e-8))
    return i1, i2, m1 * scale, m2 * scale


def _mm_body(x_ref, ew_ref, sc_ref, out_ref, wraw_v, wch_v, sems):
    b = pl.program_id(0)
    s = pl.program_id(1)
    E = ew_ref.shape[0]

    @pl.when(jnp.logical_and(b == 0, s == 0))
    def _():
        for bb in range(2):
            i1, i2, _, _ = _top2_scalars(sc_ref, bb, E)
            pltpu.make_async_copy(ew_ref.at[i1], wraw_v.at[2 * bb],
                                  sems.at[2 * bb]).start()
            pltpu.make_async_copy(ew_ref.at[i2], wraw_v.at[2 * bb + 1],
                                  sems.at[2 * bb + 1]).start()

    for bb in range(2):
        @pl.when(jnp.logical_and(b == bb, s == 0))
        def _(bb=bb):
            i1, i2, w1, w2 = _top2_scalars(sc_ref, bb, E)
            pltpu.make_async_copy(ew_ref.at[i1], wraw_v.at[2 * bb],
                                  sems.at[2 * bb]).wait()
            pltpu.make_async_copy(ew_ref.at[i2], wraw_v.at[2 * bb + 1],
                                  sems.at[2 * bb + 1]).wait()
            wc = w1 * wraw_v[2 * bb] + w2 * wraw_v[2 * bb + 1]
            wch_v[bb] = wc.astype(jnp.bfloat16)

    xh = x_ref[0].astype(jnp.bfloat16)
    out_ref[0] = jnp.dot(xh, wch_v[b], preferred_element_type=jnp.float32)


def _dispatch_call(x, expert_weights, routing_scores, bs):
    B, S, D = x.shape
    return pl.pallas_call(
        _mm_body,
        grid=(B, S // bs),
        in_specs=[
            pl.BlockSpec((1, bs, D), lambda b, s: (b, s, 0)),
            pl.BlockSpec(memory_space=pl.ANY),
            pl.BlockSpec(memory_space=pltpu.SMEM),
        ],
        out_specs=pl.BlockSpec((1, bs, D), lambda b, s: (b, s, 0)),
        scratch_shapes=[
            pltpu.VMEM((B * _K, D, D), jnp.float32),
            pltpu.VMEM((B, D, D), jnp.bfloat16),
            pltpu.SemaphoreType.DMA((B * _K,)),
        ],
        out_shape=jax.ShapeDtypeStruct((B, S, D), jnp.float32),
        compiler_params=pltpu.CompilerParams(
            dimension_semantics=("arbitrary", "arbitrary")),
    )(x, expert_weights, routing_scores)


def kernel(x, expert_weights, routing_scores):
    E = expert_weights.shape[0]
    expert_load = _routing_call(routing_scores.reshape(-1))
    out = _dispatch_call(x, expert_weights, routing_scores, 512)
    return out, expert_load

# --- scband reference (transcript-rebuilt; emitter-appended) ---
"""Pipeline reference for scband-attention-global-context-expert-fusion-49469433315517 (READ-ONLY COPY).

The authoritative reference and input builder live on the scoring server;
editing this copy changes nothing except your own understanding.
"""

import jax, jax.numpy as jnp
import numpy as np

K = 2
B, S, D, E = 2, 2048, 768, 8


def setup_inputs(seed: int = 0) -> dict:
    key = jax.random.key(seed)
    k1, k2, k3 = jax.random.split(key, 3)
    x = jax.random.normal(k1, (B, S, D), dtype=jnp.float32)
    expert_weights = jax.random.normal(k2, (E, D, D), dtype=jnp.float32) / np.sqrt(D)
    routing_scores = jax.random.normal(k3, (B, E), dtype=jnp.float32)
    return {"x": x, "expert_weights": expert_weights, "routing_scores": routing_scores}


def reference(x, expert_weights, routing_scores):
    # top_k_mask
    values, indices = jax.lax.top_k(routing_scores, K)
    bsz, num_experts = routing_scores.shape
    mask = jnp.zeros((bsz, num_experts), dtype=bool)
    mask = mask.at[jnp.arange(bsz)[:, None], indices].set(True)
    scale = 1.0 / (jnp.sum(values, axis=1, keepdims=True) + 1e-08)
    masked_scores = scale * routing_scores * mask.astype(routing_scores.dtype)
    # expert loop: each expert is a dense map applied to the full token set,
    # then weighted-accumulated only where the router activated it (weight is
    # exactly 0 for inactive (batch, expert) pairs, matching the torch indexed add)
    final_output = jnp.zeros_like(x)
    for i in range(num_experts):
        expert_output = jnp.einsum('bsd,df->bsf', x, expert_weights[i])
        weight = masked_scores[:, i][:, None, None]
        final_output = final_output + weight * expert_output
    expert_load = jnp.sum(mask.astype(jnp.int32), axis=0)
    return (final_output, expert_load)

if __name__ == "__main__":
    import jax
    _d = setup_inputs()
    print(jax.jit(kernel)(*tuple(_d.values())))

</pallas_src>

<mosaic_0001>
#map = affine_map<(d0, d1) -> (0)>
module attributes {stable_mosaic.version = 14 : i64} {
  func.func @_routing_body(%arg0: i32, %arg1: i32, %arg2: memref<16xf32, #tpu.memory_space<hbm>>, %arg3: memref<8xi32, #tpu.memory_space<hbm>>, %arg4: memref<16xf32, #tpu.memory_space<vmem>>, %arg5: memref<16xi32, #tpu.memory_space<vmem>>) attributes {dimension_semantics = [#tpu.dimension_semantics<core_parallel>, #tpu.dimension_semantics<subcore_parallel>], iteration_bounds = array<i64: 1, 1>, scalar_prefetch = 0 : i64, scratch_operands = 2 : i64, tpu.core_type = #tpu.core_type<sc_vector_subcore>, window_params = [{transform_indices = #map}, {transform_indices = #map}]} {
    %eq3A = arith.constant 0 : i32
    %eq3A_0 = arith.cmpi eq, %arg0, %eq3A : i32
    %eq3A_1 = arith.constant 0 : i32
    %eq3A_2 = arith.cmpi eq, %arg1, %eq3A_1 : i32
    %and3A = arith.andi %eq3A_0, %eq3A_2 : i1
    %convert_element_type3A = arith.extui %and3A : i1 to i32
    %cond3A = arith.constant 0 : i32
    %cond3A_3 = arith.cmpi ne, %convert_element_type3A, %cond3A : i32
    scf.if %cond3A_3 {
      "tpu.region"() ({
        %run_scoped3A = tpu.sem_alloc : memref<!tpu.dma_semaphore, #tpu.memory_space<semaphore_mem>>
        tpu.enqueue_dma source(%arg2 : memref<16xf32, #tpu.memory_space<hbm>>) target(%arg4 : memref<16xf32, #tpu.memory_space<vmem>>) target_semaphore(%run_scoped3A : memref<!tpu.dma_semaphore, #tpu.memory_space<semaphore_mem>>)
        tpu.wait_dma2 semaphore(%run_scoped3A : memref<!tpu.dma_semaphore, #tpu.memory_space<semaphore_mem>>) src(%arg2 : memref<16xf32, #tpu.memory_space<hbm>>) dst(%arg4 : memref<16xf32, #tpu.memory_space<vmem>>)
        tpu.yield
      }) : () -> ()
      %get3A = arith.constant 0 : index
      %get3A_4 = tpu.vector_load %arg4[%get3A] {strides = array<i32>} : memref<16xf32, #tpu.memory_space<vmem>>, vector<16xf32>,
      %iota3A = tpu.iota {dimensions = array<i32: 0>} : vector<16xi32>
      %broadcast_in_dim3A = arith.constant 0xFF800000 : f32
      %broadcast_in_dim3A_5 = vector.broadcast %broadcast_in_dim3A : f32 to vector<16xf32>
      %xor3A = arith.constant 1 : i32
      %xor3A_6 = vector.broadcast %xor3A : i32 to vector<16xi32>
      %xor3A_7 = arith.xori %iota3A, %xor3A_6 : vector<16xi32>
      %lt3A = arith.constant 0 : i32
      %lt3A_8 = vector.broadcast %lt3A : i32 to vector<16xi32>
      %lt3A_9 = arith.cmpi slt, %xor3A_7, %lt3A_8 : vector<16xi32>
      %add3A = arith.constant 16 : i32
      %add3A_10 = vector.broadcast %add3A : i32 to vector<16xi32>
      %add3A_11 = arith.addi %xor3A_7, %add3A_10 : vector<16xi32>
      %select_n3A = arith.select %lt3A_9, %add3A_11, %xor3A_7 : vector<16xi1>, vector<16xi32>
      %broadcast_in_dim3A_12 = vector.shape_cast %select_n3A : vector<16xi32> to vector<16x1xi32>
      %gather3A = vector.shape_cast %broadcast_in_dim3A_12 : vector<16x1xi32> to vector<16xi32>
      %gather3A_13 = tpu.dynamic_gather %get3A_4[%gather3A] in [0] : vector<16xf32>, vector<16xi32> -> vector<16xf32>
      %max3A = arith.maximumf %get3A_4, %gather3A_13 : vector<16xf32>
      %xor3A_14 = arith.constant 2 : i32
      %xor3A_15 = vector.broadcast %xor3A_14 : i32 to vector<16xi32>
      %xor3A_16 = arith.xori %iota3A, %xor3A_15 : vector<16xi32>
      %lt3A_17 = arith.constant 0 : i32
      %lt3A_18 = vector.broadcast %lt3A_17 : i32 to vector<16xi32>
      %lt3A_19 = arith.cmpi slt, %xor3A_16, %lt3A_18 : vector<16xi32>
      %add3A_20 = arith.constant 16 : i32
      %add3A_21 = vector.broadcast %add3A_20 : i32 to vector<16xi32>
      %add3A_22 = arith.addi %xor3A_16, %add3A_21 : vector<16xi32>
      %select_n3A_23 = arith.select %lt3A_19, %add3A_22, %xor3A_16 : vector<16xi1>, vector<16xi32>
      %broadcast_in_dim3A_24 = vector.shape_cast %select_n3A_23 : vector<16xi32> to vector<16x1xi32>
      %gather3A_25 = vector.shape_cast %broadcast_in_dim3A_24 : vector<16x1xi32> to vector<16xi32>
      %gather3A_26 = tpu.dynamic_gather %max3A[%gather3A_25] in [0] : vector<16xf32>, vector<16xi32> -> vector<16xf32>
      %max3A_27 = arith.maximumf %max3A, %gather3A_26 : vector<16xf32>
      %xor3A_28 = arith.constant 4 : i32
      %xor3A_29 = vector.broadcast %xor3A_28 : i32 to vector<16xi32>
      %xor3A_30 = arith.xori %iota3A, %xor3A_29 : vector<16xi32>
      %lt3A_31 = arith.constant 0 : i32
      %lt3A_32 = vector.broadcast %lt3A_31 : i32 to vector<16xi32>
      %lt3A_33 = arith.cmpi slt, %xor3A_30, %lt3A_32 : vector<16xi32>
      %add3A_34 = arith.constant 16 : i32
      %add3A_35 = vector.broadcast %add3A_34 : i32 to vector<16xi32>
      %add3A_36 = arith.addi %xor3A_30, %add3A_35 : vector<16xi32>
      %select_n3A_37 = arith.select %lt3A_33, %add3A_36, %xor3A_30 : vector<16xi1>, vector<16xi32>
      %broadcast_in_dim3A_38 = vector.shape_cast %select_n3A_37 : vector<16xi32> to vector<16x1xi32>
      %gather3A_39 = vector.shape_cast %broadcast_in_dim3A_38 : vector<16x1xi32> to vector<16xi32>
      %gather3A_40 = tpu.dynamic_gather %max3A_27[%gather3A_39] in [0] : vector<16xf32>, vector<16xi32> -> vector<16xf32>
      %max3A_41 = arith.maximumf %max3A_27, %gather3A_40 : vector<16xf32>
      %eq3A_42 = arith.cmpf oeq, %get3A_4, %max3A_41 : vector<16xf32>
      %jit3A = arith.constant 99 : i32
      %broadcast_in_dim3A_43 = vector.broadcast %jit3A : i32 to vector<16xi32>
      %select_n3A_44 = arith.select %eq3A_42, %iota3A, %broadcast_in_dim3A_43 : vector<16xi1>, vector<16xi32>
      %xor3A_45 = arith.constant 1 : i32
      %xor3A_46 = vector.broadcast %xor3A_45 : i32 to vector<16xi32>
      %xor3A_47 = arith.xori %iota3A, %xor3A_46 : vector<16xi32>
      %lt3A_48 = arith.constant 0 : i32
      %lt3A_49 = vector.broadcast %lt3A_48 : i32 to vector<16xi32>
      %lt3A_50 = arith.cmpi slt, %xor3A_47, %lt3A_49 : vector<16xi32>
      %add3A_51 = arith.constant 16 : i32
      %add3A_52 = vector.broadcast %add3A_51 : i32 to vector<16xi32>
      %add3A_53 = arith.addi %xor3A_47, %add3A_52 : vector<16xi32>
      %select_n3A_54 = arith.select %lt3A_50, %add3A_53, %xor3A_47 : vector<16xi1>, vector<16xi32>
      %broadcast_in_dim3A_55 = vector.shape_cast %select_n3A_54 : vector<16xi32> to vector<16x1xi32>
      %gather3A_56 = vector.shape_cast %broadcast_in_dim3A_55 : vector<16x1xi32> to vector<16xi32>
      %gather3A_57 = tpu.dynamic_gather %select_n3A_44[%gather3A_56] in [0] : vector<16xi32>, vector<16xi32> -> vector<16xi32>
      %min3A = arith.minsi %select_n3A_44, %gather3A_57 : vector<16xi32>
      %xor3A_58 = arith.constant 2 : i32
      %xor3A_59 = vector.broadcast %xor3A_58 : i32 to vector<16xi32>
      %xor3A_60 = arith.xori %iota3A, %xor3A_59 : vector<16xi32>
      %lt3A_61 = arith.constant 0 : i32
      %lt3A_62 = vector.broadcast %lt3A_61 : i32 to vector<16xi32>
      %lt3A_63 = arith.cmpi slt, %xor3A_60, %lt3A_62 : vector<16xi32>
      %add3A_64 = arith.constant 16 : i32
      %add3A_65 = vector.broadcast %add3A_64 : i32 to vector<16xi32>
      %add3A_66 = arith.addi %xor3A_60, %add3A_65 : vector<16xi32>
      %select_n3A_67 = arith.select %lt3A_63, %add3A_66, %xor3A_60 : vector<16xi1>, vector<16xi32>
      %broadcast_in_dim3A_68 = vector.shape_cast %select_n3A_67 : vector<16xi32> to vector<16x1xi32>
      %gather3A_69 = vector.shape_cast %broadcast_in_dim3A_68 : vector<16x1xi32> to vector<16xi32>
      %gather3A_70 = tpu.dynamic_gather %min3A[%gather3A_69] in [0] : vector<16xi32>, vector<16xi32> -> vector<16xi32>
      %min3A_71 = arith.minsi %min3A, %gather3A_70 : vector<16xi32>
      %xor3A_72 = arith.constant 4 : i32
      %xor3A_73 = vector.broadcast %xor3A_72 : i32 to vector<16xi32>
      %xor3A_74 = arith.xori %iota3A, %xor3A_73 : vector<16xi32>
      %lt3A_75 = arith.constant 0 : i32
      %lt3A_76 = vector.broadcast %lt3A_75 : i32 to vector<16xi32>
      %lt3A_77 = arith.cmpi slt, %xor3A_74, %lt3A_76 : vector<16xi32>
      %add3A_78 = arith.constant 16 : i32
      %add3A_79 = vector.broadcast %add3A_78 : i32 to vector<16xi32>
      %add3A_80 = arith.addi %xor3A_74, %add3A_79 : vector<16xi32>
      %select_n3A_81 = arith.select %lt3A_77, %add3A_80, %xor3A_74 : vector<16xi1>, vector<16xi32>
      %broadcast_in_dim3A_82 = vector.shape_cast %select_n3A_81 : vector<16xi32> to vector<16x1xi32>
      %gather3A_83 = vector.shape_cast %broadcast_in_dim3A_82 : vector<16x1xi32> to vector<16xi32>
      %gather3A_84 = tpu.dynamic_gather %min3A_71[%gather3A_83] in [0] : vector<16xi32>, vector<16xi32> -> vector<16xi32>
      %min3A_85 = arith.minsi %min3A_71, %gather3A_84 : vector<16xi32>
      %eq3A_86 = arith.cmpi eq, %iota3A, %min3A_85 : vector<16xi32>
      %select_n3A_87 = arith.select %eq3A_86, %broadcast_in_dim3A_5, %get3A_4 : vector<16xi1>, vector<16xf32>
      %xor3A_88 = arith.constant 1 : i32
      %xor3A_89 = vector.broadcast %xor3A_88 : i32 to vector<16xi32>
      %xor3A_90 = arith.xori %iota3A, %xor3A_89 : vector<16xi32>
      %lt3A_91 = arith.constant 0 : i32
      %lt3A_92 = vector.broadcast %lt3A_91 : i32 to vector<16xi32>
      %lt3A_93 = arith.cmpi slt, %xor3A_90, %lt3A_92 : vector<16xi32>
      %add3A_94 = arith.constant 16 : i32
      %add3A_95 = vector.broadcast %add3A_94 : i32 to vector<16xi32>
      %add3A_96 = arith.addi %xor3A_90, %add3A_95 : vector<16xi32>
      %select_n3A_97 = arith.select %lt3A_93, %add3A_96, %xor3A_90 : vector<16xi1>, vector<16xi32>
      %broadcast_in_dim3A_98 = vector.shape_cast %select_n3A_97 : vector<16xi32> to vector<16x1xi32>
      %gather3A_99 = vector.shape_cast %broadcast_in_dim3A_98 : vector<16x1xi32> to vector<16xi32>
      %gather3A_100 = tpu.dynamic_gather %select_n3A_87[%gather3A_99] in [0] : vector<16xf32>, vector<16xi32> -> vector<16xf32>
      %max3A_101 = arith.maximumf %select_n3A_87, %gather3A_100 : vector<16xf32>
      %xor3A_102 = arith.constant 2 : i32
      %xor3A_103 = vector.broadcast %xor3A_102 : i32 to vector<16xi32>
      %xor3A_104 = arith.xori %iota3A, %xor3A_103 : vector<16xi32>
      %lt3A_105 = arith.constant 0 : i32
      %lt3A_106 = vector.broadcast %lt3A_105 : i32 to vector<16xi32>
      %lt3A_107 = arith.cmpi slt, %xor3A_104, %lt3A_106 : vector<16xi32>
      %add3A_108 = arith.constant 16 : i32
      %add3A_109 = vector.broadcast %add3A_108 : i32 to vector<16xi32>
      %add3A_110 = arith.addi %xor3A_104, %add3A_109 : vector<16xi32>
      %select_n3A_111 = arith.select %lt3A_107, %add3A_110, %xor3A_104 : vector<16xi1>, vector<16xi32>
      %broadcast_in_dim3A_112 = vector.shape_cast %select_n3A_111 : vector<16xi32> to vector<16x1xi32>
      %gather3A_113 = vector.shape_cast %broadcast_in_dim3A_112 : vector<16x1xi32> to vector<16xi32>
      %gather3A_114 = tpu.dynamic_gather %max3A_101[%gather3A_113] in [0] : vector<16xf32>, vector<16xi32> -> vector<16xf32>
      %max3A_115 = arith.maximumf %max3A_101, %gather3A_114 : vector<16xf32>
      %xor3A_116 = arith.constant 4 : i32
      %xor3A_117 = vector.broadcast %xor3A_116 : i32 to vector<16xi32>
      %xor3A_118 = arith.xori %iota3A, %xor3A_117 : vector<16xi32>
      %lt3A_119 = arith.constant 0 : i32
      %lt3A_120 = vector.broadcast %lt3A_119 : i32 to vector<16xi32>
      %lt3A_121 = arith.cmpi slt, %xor3A_118, %lt3A_120 : vector<16xi32>
      %add3A_122 = arith.constant 16 : i32
      %add3A_123 = vector.broadcast %add3A_122 : i32 to vector<16xi32>
      %add3A_124 = arith.addi %xor3A_118, %add3A_123 : vector<16xi32>
      %select_n3A_125 = arith.select %lt3A_121, %add3A_124, %xor3A_118 : vector<16xi1>, vector<16xi32>
      %broadcast_in_dim3A_126 = vector.shape_cast %select_n3A_125 : vector<16xi32> to vector<16x1xi32>
      %gather3A_127 = vector.shape_cast %broadcast_in_dim3A_126 : vector<16x1xi32> to vector<16xi32>
      %gather3A_128 = tpu.dynamic_gather %max3A_115[%gather3A_127] in [0] : vector<16xf32>, vector<16xi32> -> vector<16xf32>
      %max3A_129 = arith.maximumf %max3A_115, %gather3A_128 : vector<16xf32>
      %eq3A_130 = arith.cmpf oeq, %select_n3A_87, %max3A_129 : vector<16xf32>
      %jit3A_131 = arith.constant 99 : i32
      %broadcast_in_dim3A_132 = vector.broadcast %jit3A_131 : i32 to vector<16xi32>
      %select_n3A_133 = arith.select %eq3A_130, %iota3A, %broadcast_in_dim3A_132 : vector<16xi1>, vector<16xi32>
      %xor3A_134 = arith.constant 1 : i32
      %xor3A_135 = vector.broadcast %xor3A_134 : i32 to vector<16xi32>
      %xor3A_136 = arith.xori %iota3A, %xor3A_135 : vector<16xi32>
      %lt3A_137 = arith.constant 0 : i32
      %lt3A_138 = vector.broadcast %lt3A_137 : i32 to vector<16xi32>
      %lt3A_139 = arith.cmpi slt, %xor3A_136, %lt3A_138 : vector<16xi32>
      %add3A_140 = arith.constant 16 : i32
      %add3A_141 = vector.broadcast %add3A_140 : i32 to vector<16xi32>
      %add3A_142 = arith.addi %xor3A_136, %add3A_141 : vector<16xi32>
      %select_n3A_143 = arith.select %lt3A_139, %add3A_142, %xor3A_136 : vector<16xi1>, vector<16xi32>
      %broadcast_in_dim3A_144 = vector.shape_cast %select_n3A_143 : vector<16xi32> to vector<16x1xi32>
      %gather3A_145 = vector.shape_cast %broadcast_in_dim3A_144 : vector<16x1xi32> to vector<16xi32>
      %gather3A_146 = tpu.dynamic_gather %select_n3A_133[%gather3A_145] in [0] : vector<16xi32>, vector<16xi32> -> vector<16xi32>
      %min3A_147 = arith.minsi %select_n3A_133, %gather3A_146 : vector<16xi32>
      %xor3A_148 = arith.constant 2 : i32
      %xor3A_149 = vector.broadcast %xor3A_148 : i32 to vector<16xi32>
      %xor3A_150 = arith.xori %iota3A, %xor3A_149 : vector<16xi32>
      %lt3A_151 = arith.constant 0 : i32
      %lt3A_152 = vector.broadcast %lt3A_151 : i32 to vector<16xi32>
      %lt3A_153 = arith.cmpi slt, %xor3A_150, %lt3A_152 : vector<16xi32>
      %add3A_154 = arith.constant 16 : i32
      %add3A_155 = vector.broadcast %add3A_154 : i32 to vector<16xi32>
      %add3A_156 = arith.addi %xor3A_150, %add3A_155 : vector<16xi32>
      %select_n3A_157 = arith.select %lt3A_153, %add3A_156, %xor3A_150 : vector<16xi1>, vector<16xi32>
      %broadcast_in_dim3A_158 = vector.shape_cast %select_n3A_157 : vector<16xi32> to vector<16x1xi32>
      %gather3A_159 = vector.shape_cast %broadcast_in_dim3A_158 : vector<16x1xi32> to vector<16xi32>
      %gather3A_160 = tpu.dynamic_gather %min3A_147[%gather3A_159] in [0] : vector<16xi32>, vector<16xi32> -> vector<16xi32>
      %min3A_161 = arith.minsi %min3A_147, %gather3A_160 : vector<16xi32>
      %xor3A_162 = arith.constant 4 : i32
      %xor3A_163 = vector.broadcast %xor3A_162 : i32 to vector<16xi32>
      %xor3A_164 = arith.xori %iota3A, %xor3A_163 : vector<16xi32>
      %lt3A_165 = arith.constant 0 : i32
      %lt3A_166 = vector.broadcast %lt3A_165 : i32 to vector<16xi32>
      %lt3A_167 = arith.cmpi slt, %xor3A_164, %lt3A_166 : vector<16xi32>
      %add3A_168 = arith.constant 16 : i32
      %add3A_169 = vector.broadcast %add3A_168 : i32 to vector<16xi32>
      %add3A_170 = arith.addi %xor3A_164, %add3A_169 : vector<16xi32>
      %select_n3A_171 = arith.select %lt3A_167, %add3A_170, %xor3A_164 : vector<16xi1>, vector<16xi32>
      %broadcast_in_dim3A_172 = vector.shape_cast %select_n3A_171 : vector<16xi32> to vector<16x1xi32>
      %gather3A_173 = vector.shape_cast %broadcast_in_dim3A_172 : vector<16x1xi32> to vector<16xi32>
      %gather3A_174 = tpu.dynamic_gather %min3A_161[%gather3A_173] in [0] : vector<16xi32>, vector<16xi32> -> vector<16xi32>
      %min3A_175 = arith.minsi %min3A_161, %gather3A_174 : vector<16xi32>
      %add3A_176 = arith.addf %max3A_41, %max3A_129 : vector<16xf32>
      %add3A_177 = arith.constant 9.99999993E-9 : f32
      %add3A_178 = vector.broadcast %add3A_177 : f32 to vector<16xf32>
      %add3A_179 = arith.addf %add3A_176, %add3A_178 : vector<16xf32>
      %div3A = arith.constant 1.000000e+00 : f32
      %div3A_180 = vector.broadcast %div3A : f32 to vector<16xf32>
      %div3A_181 = arith.divf %div3A_180, %add3A_179 : vector<16xf32>
      %mul3A = arith.mulf %max3A_41, %div3A_181 : vector<16xf32>
      %mul3A_182 = arith.mulf %max3A_129, %div3A_181 : vector<16xf32>
      %ge3A = arith.constant 8 : i32
      %ge3A_183 = vector.broadcast %ge3A : i32 to vector<16xi32>
      %ge3A_184 = arith.cmpi sge, %iota3A, %ge3A_183 : vector<16xi32>
      %jit3A_185 = arith.constant 8 : i32
      %jit3A_186 = arith.constant 0 : i32
      %broadcast_in_dim3A_187 = vector.broadcast %jit3A_185 : i32 to vector<16xi32>
      %broadcast_in_dim3A_188 = vector.broadcast %jit3A_186 : i32 to vector<16xi32>
      %select_n3A_189 = arith.select %ge3A_184, %broadcast_in_dim3A_187, %broadcast_in_dim3A_188 : vector<16xi1>, vector<16xi32>
      %sub3A = arith.subi %min3A_85, %select_n3A_189 : vector<16xi32>
      %sub3A_190 = arith.subi %min3A_175, %select_n3A_189 : vector<16xi32>
      %broadcast_in_dim3A_191 = arith.constant 0 : i32
      %broadcast_in_dim3A_192 = vector.broadcast %broadcast_in_dim3A_191 : i32 to vector<16xi32>
      %broadcast_in_dim3A_193 = arith.constant 0.000000e+00 : f32
      %broadcast_in_dim3A_194 = vector.broadcast %broadcast_in_dim3A_193 : f32 to vector<16xf32>
      %lt3A_195 = arith.constant 0 : i32
      %lt3A_196 = vector.broadcast %lt3A_195 : i32 to vector<16xi32>
      %lt3A_197 = arith.cmpi slt, %broadcast_in_dim3A_192, %lt3A_196 : vector<16xi32>
      %add3A_198 = arith.constant 16 : i32
      %add3A_199 = vector.broadcast %add3A_198 : i32 to vector<16xi32>
      %add3A_200 = arith.addi %broadcast_in_dim3A_192, %add3A_199 : vector<16xi32>
      %select_n3A_201 = arith.select %lt3A_197, %add3A_200, %broadcast_in_dim3A_192 : vector<16xi1>, vector<16xi32>
      %broadcast_in_dim3A_202 = vector.shape_cast %select_n3A_201 : vector<16xi32> to vector<16x1xi32>
      %gather3A_203 = vector.shape_cast %broadcast_in_dim3A_202 : vector<16x1xi32> to vector<16xi32>
      %gather3A_204 = tpu.dynamic_gather %sub3A[%gather3A_203] in [0] : vector<16xi32>, vector<16xi32> -> vector<16xi32>
      %lt3A_205 = arith.constant 0 : i32
      %lt3A_206 = vector.broadcast %lt3A_205 : i32 to vector<16xi32>
      %lt3A_207 = arith.cmpi slt, %broadcast_in_dim3A_192, %lt3A_206 : vector<16xi32>
      %add3A_208 = arith.constant 16 : i32
      %add3A_209 = vector.broadcast %add3A_208 : i32 to vector<16xi32>
      %add3A_210 = arith.addi %broadcast_in_dim3A_192, %add3A_209 : vector<16xi32>
      %select_n3A_211 = arith.select %lt3A_207, %add3A_210, %broadcast_in_dim3A_192 : vector<16xi1>, vector<16xi32>
      %broadcast_in_dim3A_212 = vector.shape_cast %select_n3A_211 : vector<16xi32> to vector<16x1xi32>
      %gather3A_213 = vector.shape_cast %broadcast_in_dim3A_212 : vector<16x1xi32> to vector<16xi32>
      %gather3A_214 = tpu.dynamic_gather %sub3A_190[%gather3A_213] in [0] : vector<16xi32>, vector<16xi32> -> vector<16xi32>
      %add3A_215 = arith.constant 8 : i32
      %add3A_216 = vector.broadcast %add3A_215 : i32 to vector<16xi32>
      %add3A_217 = arith.addi %broadcast_in_dim3A_192, %add3A_216 : vector<16xi32>
      %lt3A_218 = arith.constant 0 : i32
      %lt3A_219 = vector.broadcast %lt3A_218 : i32 to vector<16xi32>
      %lt3A_220 = arith.cmpi slt, %add3A_217, %lt3A_219 : vector<16xi32>
      %add3A_221 = arith.constant 16 : i32
      %add3A_222 = vector.broadcast %add3A_221 : i32 to vector<16xi32>
      %add3A_223 = arith.addi %add3A_217, %add3A_222 : vector<16xi32>
      %select_n3A_224 = arith.select %lt3A_220, %add3A_223, %add3A_217 : vector<16xi1>, vector<16xi32>
      %broadcast_in_dim3A_225 = vector.shape_cast %select_n3A_224 : vector<16xi32> to vector<16x1xi32>
      %gather3A_226 = vector.shape_cast %broadcast_in_dim3A_225 : vector<16x1xi32> to vector<16xi32>
      %gather3A_227 = tpu.dynamic_gather %sub3A[%gather3A_226] in [0] : vector<16xi32>, vector<16xi32> -> vector<16xi32>
      %add3A_228 = arith.constant 8 : i32
      %add3A_229 = vector.broadcast %add3A_228 : i32 to vector<16xi32>
      %add3A_230 = arith.addi %broadcast_in_dim3A_192, %add3A_229 : vector<16xi32>
      %lt3A_231 = arith.constant 0 : i32
      %lt3A_232 = vector.broadcast %lt3A_231 : i32 to vector<16xi32>
      %lt3A_233 = arith.cmpi slt, %add3A_230, %lt3A_232 : vector<16xi32>
      %add3A_234 = arith.constant 16 : i32
      %add3A_235 = vector.broadcast %add3A_234 : i32 to vector<16xi32>
      %add3A_236 = arith.addi %add3A_230, %add3A_235 : vector<16xi32>
      %select_n3A_237 = arith.select %lt3A_233, %add3A_236, %add3A_230 : vector<16xi1>, vector<16xi32>
      %broadcast_in_dim3A_238 = vector.shape_cast %select_n3A_237 : vector<16xi32> to vector<16x1xi32>
      %gather3A_239 = vector.shape_cast %broadcast_in_dim3A_238 : vector<16x1xi32> to vector<16xi32>
      %gather3A_240 = tpu.dynamic_gather %sub3A_190[%gather3A_239] in [0] : vector<16xi32>, vector<16xi32> -> vector<16xi32>
      %lt3A_241 = arith.constant 0 : i32
      %lt3A_242 = vector.broadcast %lt3A_241 : i32 to vector<16xi32>
      %lt3A_243 = arith.cmpi slt, %broadcast_in_dim3A_192, %lt3A_242 : vector<16xi32>
      %add3A_244 = arith.constant 16 : i32
      %add3A_245 = vector.broadcast %add3A_244 : i32 to vector<16xi32>
      %add3A_246 = arith.addi %broadcast_in_dim3A_192, %add3A_245 : vector<16xi32>
      %select_n3A_247 = arith.select %lt3A_243, %add3A_246, %broadcast_in_dim3A_192 : vector<16xi1>, vector<16xi32>
      %broadcast_in_dim3A_248 = vector.shape_cast %select_n3A_247 : vector<16xi32> to vector<16x1xi32>
      %gather3A_249 = vector.shape_cast %broadcast_in_dim3A_248 : vector<16x1xi32> to vector<16xi32>
      %gather3A_250 = tpu.dynamic_gather %mul3A[%gather3A_249] in [0] : vector<16xf32>, vector<16xi32> -> vector<16xf32>
      %lt3A_251 = arith.constant 0 : i32
      %lt3A_252 = vector.broadcast %lt3A_251 : i32 to vector<16xi32>
      %lt3A_253 = arith.cmpi slt, %broadcast_in_dim3A_192, %lt3A_252 : vector<16xi32>
      %add3A_254 = arith.constant 16 : i32
      %add3A_255 = vector.broadcast %add3A_254 : i32 to vector<16xi32>
      %add3A_256 = arith.addi %broadcast_in_dim3A_192, %add3A_255 : vector<16xi32>
      %select_n3A_257 = arith.select %lt3A_253, %add3A_256, %broadcast_in_dim3A_192 : vector<16xi1>, vector<16xi32>
      %broadcast_in_dim3A_258 = vector.shape_cast %select_n3A_257 : vector<16xi32> to vector<16x1xi32>
      %gather3A_259 = vector.shape_cast %broadcast_in_dim3A_258 : vector<16x1xi32> to vector<16xi32>
      %gather3A_260 = tpu.dynamic_gather %mul3A_182[%gather3A_259] in [0] : vector<16xf32>, vector<16xi32> -> vector<16xf32>
      %add3A_261 = arith.constant 8 : i32
      %add3A_262 = vector.broadcast %add3A_261 : i32 to vector<16xi32>
      %add3A_263 = arith.addi %broadcast_in_dim3A_192, %add3A_262 : vector<16xi32>
      %lt3A_264 = arith.constant 0 : i32
      %lt3A_265 = vector.broadcast %lt3A_264 : i32 to vector<16xi32>
      %lt3A_266 = arith.cmpi slt, %add3A_263, %lt3A_265 : vector<16xi32>
      %add3A_267 = arith.constant 16 : i32
      %add3A_268 = vector.broadcast %add3A_267 : i32 to vector<16xi32>
      %add3A_269 = arith.addi %add3A_263, %add3A_268 : vector<16xi32>
      %select_n3A_270 = arith.select %lt3A_266, %add3A_269, %add3A_263 : vector<16xi1>, vector<16xi32>
      %broadcast_in_dim3A_271 = vector.shape_cast %select_n3A_270 : vector<16xi32> to vector<16x1xi32>
      %gather3A_272 = vector.shape_cast %broadcast_in_dim3A_271 : vector<16x1xi32> to vector<16xi32>
      %gather3A_273 = tpu.dynamic_gather %mul3A[%gather3A_272] in [0] : vector<16xf32>, vector<16xi32> -> vector<16xf32>
      %add3A_274 = arith.constant 8 : i32
      %add3A_275 = vector.broadcast %add3A_274 : i32 to vector<16xi32>
      %add3A_276 = arith.addi %broadcast_in_dim3A_192, %add3A_275 : vector<16xi32>
      %lt3A_277 = arith.constant 0 : i32
      %lt3A_278 = vector.broadcast %lt3A_277 : i32 to vector<16xi32>
      %lt3A_279 = arith.cmpi slt, %add3A_276, %lt3A_278 : vector<16xi32>
      %add3A_280 = arith.constant 16 : i32
      %add3A_281 = vector.broadcast %add3A_280 : i32 to vector<16xi32>
      %add3A_282 = arith.addi %add3A_276, %add3A_281 : vector<16xi32>
      %select_n3A_283 = arith.select %lt3A_279, %add3A_282, %add3A_276 : vector<16xi1>, vector<16xi32>
      %broadcast_in_dim3A_284 = vector.shape_cast %select_n3A_283 : vector<16xi32> to vector<16x1xi32>
      %gather3A_285 = vector.shape_cast %broadcast_in_dim3A_284 : vector<16x1xi32> to vector<16xi32>
      %gather3A_286 = tpu.dynamic_gather %mul3A_182[%gather3A_285] in [0] : vector<16xf32>, vector<16xi32> -> vector<16xf32>
      %eq3A_287 = arith.constant 0 : i32
      %eq3A_288 = vector.broadcast %eq3A_287 : i32 to vector<16xi32>
      %eq3A_289 = arith.cmpi eq, %iota3A, %eq3A_288 : vector<16xi32>
      %select_n3A_290 = arith.select %eq3A_289, %gather3A_204, %broadcast_in_dim3A_192 : vector<16xi1>, vector<16xi32>
      %eq3A_291 = arith.constant 1 : i32
      %eq3A_292 = vector.broadcast %eq3A_291 : i32 to vector<16xi32>
      %eq3A_293 = arith.cmpi eq, %iota3A, %eq3A_292 : vector<16xi32>
      %select_n3A_294 = arith.select %eq3A_293, %gather3A_214, %broadcast_in_dim3A_192 : vector<16xi1>, vector<16xi32>
      %add3A_295 = arith.addi %select_n3A_290, %select_n3A_294 : vector<16xi32>
      %eq3A_296 = arith.constant 2 : i32
      %eq3A_297 = vector.broadcast %eq3A_296 : i32 to vector<16xi32>
      %eq3A_298 = arith.cmpi eq, %iota3A, %eq3A_297 : vector<16xi32>
      %select_n3A_299 = arith.select %eq3A_298, %gather3A_227, %broadcast_in_dim3A_192 : vector<16xi1>, vector<16xi32>
      %add3A_300 = arith.addi %add3A_295, %select_n3A_299 : vector<16xi32>
      %eq3A_301 = arith.constant 3 : i32
      %eq3A_302 = vector.broadcast %eq3A_301 : i32 to vector<16xi32>
      %eq3A_303 = arith.cmpi eq, %iota3A, %eq3A_302 : vector<16xi32>
      %select_n3A_304 = arith.select %eq3A_303, %gather3A_240, %broadcast_in_dim3A_192 : vector<16xi1>, vector<16xi32>
      %add3A_305 = arith.addi %add3A_300, %select_n3A_304 : vector<16xi32>
      %eq3A_306 = arith.constant 0 : i32
      %eq3A_307 = vector.broadcast %eq3A_306 : i32 to vector<16xi32>
      %eq3A_308 = arith.cmpi eq, %iota3A, %eq3A_307 : vector<16xi32>
      %select_n3A_309 = arith.select %eq3A_308, %gather3A_250, %broadcast_in_dim3A_194 : vector<16xi1>, vector<16xf32>
      %eq3A_310 = arith.constant 1 : i32
      %eq3A_311 = vector.broadcast %eq3A_310 : i32 to vector<16xi32>
      %eq3A_312 = arith.cmpi eq, %iota3A, %eq3A_311 : vector<16xi32>
      %select_n3A_313 = arith.select %eq3A_312, %gather3A_260, %broadcast_in_dim3A_194 : vector<16xi1>, vector<16xf32>
      %add3A_314 = arith.addf %select_n3A_309, %select_n3A_313 : vector<16xf32>
      %eq3A_315 = arith.constant 2 : i32
      %eq3A_316 = vector.broadcast %eq3A_315 : i32 to vector<16xi32>
      %eq3A_317 = arith.cmpi eq, %iota3A, %eq3A_316 : vector<16xi32>
      %select_n3A_318 = arith.select %eq3A_317, %gather3A_273, %broadcast_in_dim3A_194 : vector<16xi1>, vector<16xf32>
      %add3A_319 = arith.addf %add3A_314, %select_n3A_318 : vector<16xf32>
      %eq3A_320 = arith.constant 3 : i32
      %eq3A_321 = vector.broadcast %eq3A_320 : i32 to vector<16xi32>
      %eq3A_322 = arith.cmpi eq, %iota3A, %eq3A_321 : vector<16xi32>
      %select_n3A_323 = arith.select %eq3A_322, %gather3A_286, %broadcast_in_dim3A_194 : vector<16xi1>, vector<16xf32>
      %add3A_324 = arith.addf %add3A_319, %select_n3A_323 : vector<16xf32>
      %eq3A_325 = arith.cmpi eq, %iota3A, %gather3A_204 : vector<16xi32>
      %convert_element_type3A_326 = arith.extui %eq3A_325 : vector<16xi1> to vector<16xi32>
      %eq3A_327 = arith.cmpi eq, %iota3A, %gather3A_214 : vector<16xi32>
      %convert_element_type3A_328 = arith.extui %eq3A_327 : vector<16xi1> to vector<16xi32>
      %add3A_329 = arith.addi %convert_element_type3A_326, %convert_element_type3A_328 : vector<16xi32>
      %eq3A_330 = arith.cmpi eq, %iota3A, %gather3A_227 : vector<16xi32>
      %convert_element_type3A_331 = arith.extui %eq3A_330 : vector<16xi1> to vector<16xi32>
      %add3A_332 = arith.addi %add3A_329, %convert_element_type3A_331 : vector<16xi32>
      %eq3A_333 = arith.cmpi eq, %iota3A, %gather3A_240 : vector<16xi32>
      %convert_element_type3A_334 = arith.extui %eq3A_333 : vector<16xi1> to vector<16xi32>
      %add3A_335 = arith.addi %add3A_332, %convert_element_type3A_334 : vector<16xi32>
      %swap3A = arith.constant 0 : index
      %swap3A_336 = tpu.vector_load %arg5[%swap3A] {strides = array<i32>} : memref<16xi32, #tpu.memory_space<vmem>>, vector<16xi32>,
      tpu.vector_store %arg5[%swap3A], %add3A_335 {strides = array<i32>} : memref<16xi32, #tpu.memory_space<vmem>>, vector<16xi32>,
      "tpu.region"() ({
        %run_scoped3A = tpu.sem_alloc : memref<!tpu.dma_semaphore, #tpu.memory_space<semaphore_mem>>
        %dma_start3A = arith.constant 0 : i32
        %dma_start3A_337 = tpu.memref_slice %arg5[%dma_start3A] : memref<16xi32, #tpu.memory_space<vmem>> -> memref<8xi32, #tpu.memory_space<vmem>>
        %dma_start3A_338 = arith.constant 0 : i32
        %dma_start3A_339 = tpu.memref_slice %arg5[%dma_start3A_338] : memref<16xi32, #tpu.memory_space<vmem>> -> memref<8xi32, #tpu.memory_space<vmem>>
        tpu.enqueue_dma source(%dma_start3A_339 : memref<8xi32, #tpu.memory_space<vmem>>) target(%arg3 : memref<8xi32, #tpu.memory_space<hbm>>) target_semaphore(%run_scoped3A : memref<!tpu.dma_semaphore, #tpu.memory_space<semaphore_mem>>)
        %dma_wait3A = arith.constant 0 : i32
        %dma_wait3A_340 = tpu.memref_slice %arg5[%dma_wait3A] : memref<16xi32, #tpu.memory_space<vmem>> -> memref<8xi32, #tpu.memory_space<vmem>>
        %dma_wait3A_341 = arith.constant 0 : i32
        %dma_wait3A_342 = tpu.memref_slice %arg5[%dma_wait3A_341] : memref<16xi32, #tpu.memory_space<vmem>> -> memref<8xi32, #tpu.memory_space<vmem>>
        tpu.wait_dma2 semaphore(%run_scoped3A : memref<!tpu.dma_semaphore, #tpu.memory_space<semaphore_mem>>) src(%dma_wait3A_342 : memref<8xi32, #tpu.memory_space<vmem>>) dst(%arg3 : memref<8xi32, #tpu.memory_space<hbm>>)
        tpu.yield
      }) : () -> ()
    } else {
    }
    return
  }
}

</mosaic_0001>

<sc_bundles>
// kernel: _routing_call.3.cloned.1.call-start
scs
__scs_entry_jumppad:
0x0: {  	(pc) =	sbr.rel $0x88, $3  }
0x1: {  	(tag) =	ssettag $0x0;
	lr =	simm.s32 $0x1  }
0x2: {  	[smem:$0x3FA0] =	sst lr;
	_ =	strace $0xD0000000  }
0x3: {  	_ = 	snop  }
0x4: {  	_ = 	snop  }
0x5: {  	_ = 	snop  }
0x6: {  	_ = 	snop  }
0x7: {  	_ = 	snop  }
__scs_overlays_trampoline_lowered:
0x8: {  	[smem:$0x3FAF] =	sst s0  }
0x9: {  	[smem:$0x3FB0] =	sst s1  }
0xa: {  	[smem:$0x3FB1] =	sst s2  }
0xb: {  	[smem:$0x3FB2] =	sst s3  }
0xc: {  	[smem:$0x3FB3] =	sst s4  }
0xd: {  	[smem:$0x3FB4] =	sst s5  }
0xe: {  	[smem:$0x3FB5] =	sst s6  }
0xf: {  	[smem:$0x3FB6] =	sst s7  }
0x10: {  	[smem:$0x3FB7] =	sst s8  }
0x11: {  	[smem:$0x3FB8] =	sst s9;
	s0 =	simm.s32 @!p0 $0x0  }
0x12: {  	s1 =	sld [smem:$0x3F9E];
	s0 =	simm.s32 @p0 $0x1  }
0x13: {  	[smem:$0x3FB9] =	sst s0;
	s0 =	simm.s32 @!p1 $0x0  }
0x14: {  	s2 =	sld [smem:$0x3F9D];
	s0 =	simm.s32 @p1 $0x1  }
0x15: {  	[smem:$0x3FBA] =	sst s0;
	s0 =	simm.s32 @!p2 $0x0  }
0x16: {  	s3 =	sld [smem:$0x3FDB];
	s0 =	simm.s32 @p2 $0x1  }
0x17: {  	s4 =	simm.s32 $0x1BF5;
	[smem:$0x3FBC] =	sst s0  }
0x18: {  	s0 =	sld [smem:$0x3F9F];
	_ =	swait.ge [sflag:s4], $0x0  }
0x19: {  	s7 =	sld [smem:$0x3FA0]  }
0x1a: {  	s8 =	sadd.s32 $0xFFFFE003, lr  }
0x1b: {  	s9 =	sadd.s32 $0xFFFFFEF7, lr;
	s5 =	simm.s32 $0xFFFFFFFF;
	p2 =	slt.u32 s8, $0xFFFFF086  }
0x1c: {  	p1 =	slt.u32 s9, $0xF7A;
	s5 =	simm.s32 @!p2 $0x0  }
0x1d: {  	s5 =	simm.s32 @p1 $0x1;
	p0 =	seq.s32 s7, s2  }
0x1e: {  	s7 =	smul.u32 @!p0 $0xF7A, s2;
	p2 =	seq.s32 @!p0 s5, $0x0  }
0x1f: {  	s9 =	smul.u32 $0xF7A, s1;
	s8 =	simm.s32 @!p0 $0x1BF5;
	p2 =	por !p2, p0  }
0x20: {  	[sflag:s8] =	ssyncset.s32 @!p0 $0xFFFFF086;
	s6 =	sadd.s32 @!p0 s3, s7;
	s7 =	simm.s32 @!p0 $0x108  }
0x21: {  	s3 =	sadd.s32 s3, s9;
	s6 =	sadd.s32 @!p0 $0x88, s6;
	s7 =	simm.s32 @p2 $0x1082  }
0x22: {  	[simem:s7], [sflag:s8] =	dma.local @!p0 [hbm:s6], $0xF7A  }
0x23: {  	s9 =	sor.u32 $0xD0000000, s2;
	s6 =	simm.s32 $0x108;
	_ =	swait.ge @!p0 [sflag:s8], $0x0  }
0x24: {  	s3 =	sadd.s32 $0x88, s3;
	s6 =	simm.s32 @!p1 $0x1082;
	[sflag:s4] =	ssyncset.s32 $0xFFFFF086  }
0x25: {  	[simem:s6], [sflag:s4] =	dma.local [hbm:s3], $0xF7A  }
0x26: {  	[smem:$0x3FA0] =	sst s1;
	(tag) =	ssettag s2;
	_ =	strace s9  }
0x27: {  	s1 =	sld [smem:$0x3FB0]  }
0x28: {  	s2 =	sld [smem:$0x3FB1]  }
0x29: {  	s4 =	sld [smem:$0x3FB3]  }
0x2a: {  	p0 =	seq.s32 s5, $0x0;
	s5 =	sld [smem:$0x3FB4]  }
0x2b: {  	s6 =	sld [smem:$0x3FB5]  }
0x2c: {  	s7 =	sld [smem:$0x3FB6]  }
0x2d: {  	s3 =	simm.s32 $0x108;
	s8 =	sld [smem:$0x3FB7]  }
0x2e: {  	s3 =	simm.s32 @!p0 $0x1082;
	s9 =	sld [smem:$0x3FB8]  }
0x2f: {  	lr =	sadd.s32 s0, s3;
	s0 =	sld [smem:$0x3FAF]  }
0x30: {  	s3 =	sld [smem:$0x3FB2]  }
0x31: {  	[smem:$0x3FBB] =	sst s10  }
0x32: {  	s10 =	sld [smem:$0x3FB9];
	_ =	sdelay $0x3  }
0x33: {  	p0 =	seq.s32 s10, $0x1;
	s10 =	sld [smem:$0x3FBB];
	_ =	sdelay $0x3  }
0x34: {  	[smem:$0x3FBB] =	sst s10  }
0x35: {  	s10 =	sld [smem:$0x3FBA];
	_ =	sdelay $0x3  }
0x36: {  	p1 =	seq.s32 s10, $0x1;
	s10 =	sld [smem:$0x3FBB];
	_ =	sdelay $0x3  }
0x37: {  	[smem:$0x3FBB] =	sst s10  }
0x38: {  	s10 =	sld [smem:$0x3FBC]  }
0x39: {  	_ = 	snop;
	(pc) =	sbr.ind lr, $3  }
0x3a: {  	_ = 	snop  }
0x3b: {  	_ = 	snop  }
0x3c: {  	p2 =	seq.s32 s10, $0x1;
	s10 =	sld [smem:$0x3FBB]  }
0x3d: {  	_ =	shalt  }
0x3e: {  	_ =	shalt  }
0x3f: {  	_ =	shalt  }
0x40: {  	_ =	shalt  }
0x41: {  	_ =	shalt  }
0x42: {  	_ =	shalt  }
0x43: {  	_ =	shalt  }
0x44: {  	_ =	shalt  }
0x45: {  	_ =	shalt  }
0x46: {  	_ =	shalt  }
0x47: {  	_ =	shalt  }
0x48: {  	_ =	shalt  }
0x49: {  	_ =	shalt  }
0x4a: {  	_ =	shalt  }
0x4b: {  	_ =	shalt  }
0x4c: {  	_ =	shalt  }
0x4d: {  	_ =	shalt  }
0x4e: {  	_ =	shalt  }
0x4f: {  	_ =	shalt  }
0x50: {  	_ =	shalt  }
0x51: {  	_ =	shalt  }
0x52: {  	_ =	shalt  }
0x53: {  	_ =	shalt  }
0x54: {  	_ =	shalt  }
0x55: {  	_ =	shalt  }
0x56: {  	_ =	shalt  }
0x57: {  	_ =	shalt  }
0x58: {  	_ =	shalt  }
0x59: {  	_ =	shalt  }
0x5a: {  	_ =	shalt  }
0x5b: {  	_ =	shalt  }
0x5c: {  	_ =	shalt  }
0x5d: {  	_ =	shalt  }
0x5e: {  	_ =	shalt  }
0x5f: {  	_ =	shalt  }
0x60: {  	_ =	shalt  }
0x61: {  	_ =	shalt  }
0x62: {  	_ =	shalt  }
0x63: {  	_ =	shalt  }
0x64: {  	_ =	shalt  }
0x65: {  	_ =	shalt  }
0x66: {  	_ =	shalt  }
0x67: {  	_ =	shalt  }
0x68: {  	_ =	shalt  }
0x69: {  	_ =	shalt  }
0x6a: {  	_ =	shalt  }
0x6b: {  	_ =	shalt  }
0x6c: {  	_ =	shalt  }
0x6d: {  	_ =	shalt  }
0x6e: {  	_ =	shalt  }
0x6f: {  	_ =	shalt  }
0x70: {  	_ =	shalt  }
0x71: {  	_ =	shalt  }
0x72: {  	_ =	shalt  }
0x73: {  	_ =	shalt  }
0x74: {  	_ =	shalt  }
0x75: {  	_ =	shalt  }
0x76: {  	_ =	shalt  }
0x77: {  	_ =	shalt  }
0x78: {  	_ =	shalt  }
0x79: {  	_ =	shalt  }
0x7a: {  	_ =	shalt  }
0x7b: {  	_ =	shalt  }
0x7c: {  	_ =	shalt  }
0x7d: {  	_ =	shalt  }
0x7e: {  	_ =	shalt  }
0x7f: {  	_ =	shalt  }
0x80: {  	_ =	shalt  }
0x81: {  	_ =	shalt  }
0x82: {  	_ =	shalt  }
0x83: {  	_ =	shalt  }
0x84: {  	_ =	shalt  }
0x85: {  	_ =	shalt  }
0x86: {  	_ =	shalt  }
0x87: {  	_ =	shalt  }
.Lfunc_end0:
.L_simem_size_0:
called_computation_lowered:
.L_overlay_start_0:
0x88: {  	s0 =	sld [smem:$0x3FD9]  }
0x89: {  	s1 =	sld [smem:$0x3FFE];
	_ =	sdelay $0x3  }
0x8a: {  	s0 =	sadd.s32 s1, s0  }
0x8b: {  	[smem:$0x3FC7] =	sst s0  }
0x8c: {  	_ = 	snop  }
0x8d: {  	s0 =	sld [smem:$0x3FC9]  }
0x8e: {  	s17 =	sld [smem:$0x3FD0];
	(tm) =	ssettm $0x1  }
0x8f: {  	s2 =	sld [smem:$0x3FFB];
	_ =	sdelay $0x3  }
0x90: {  	_ =	strace s2  }
0x91: {  	s2 =	sld [smem:$0x3FFC];
	_ =	sdelay $0x3  }
0x92: {  	_ =	strace s2  }
0x93: {  	s2 =	sld [smem:$0x3FFD];
	_ =	sdelay $0x3  }
0x94: {  	_ =	strace s2  }
0x95: {  	_ =	strace $0x8FFFFFFF  }
0x96: {  	s18 =	sld [smem:$0x3FDB];
	_ =	sdelay $0x1  }
0x97: {  	s3 =	simm.s32 $_scs_section_size  }
0x98: {  	s4 =	simm.s32 $_size__tile_overlayer_lowered;
	s5 =	simm.s32 $_tile_overlayer_lowered  }
0x99: {  	s21 =	simm.s32 $0x1BFF;
	s20 =	sshll.u32 s5, $0x1;
	s2 =	sadd.s32 s3, s18  }
0x9a: {  	s6 =	simm.s32 $0x0;
	s19 =	sshll.u32 s4, $0x1;
	s4 =	sadd.s32 s20, s2  }
0x9b: {  	[timem:s6], [sflag:s21] =	dma.local [hbm:s4], s19  }
0x9c: {  	_ =	swait.ge [sflag:s21], s19  }
0x9d: {  	s3 =	ssub.s32 $0x0, s19;
	[sflag:s21] =	ssyncset.done $0x0  }
0x9e: {  	[sflag:s21] =	ssyncadd.s32 s3;
	_ =	sdelay $0x1  }
0x9f: {  	s22 =	simm.s32 $0x1B8B  }
0xa0: {  	_ =	swait.ge [sflag:s22], $0x1  }
0xa1: {  	[sflag:s22] =	ssyncset.done $0x0  }
0xa2: {  	s23 =	simm.s32 $0x1B8E;
	[sflag:s22] =	ssyncadd.s32 $0xFFFFFFFF  }
0xa3: {  	s24 =	simm.s32 $execute0_lowered;
	[smem:$0x3FD2] =	sst s23  }
0xa4: {  	s3 =	sshll.u32 s24, $0x1;
	_ =	strace $0x80000046;
	[dreg:$0x1] =	wrdreg $0xFFFFFFFF  }
0xa5: {  	s25 =	simm.s32 $_size_execute0_lowered;
	s2 =	sadd.s32 s2, s3;
	[dreg:$0x0] =	wrdreg $0x0  }
0xa6: {  	s3 =	sshll.u32 s25, $0x1;
	[dreg:$0x2] =	wrdreg s2  }
0xa7: {  	[dreg:$0x3] =	wrdreg s3  }
0xa8: {  	[dreg:$0x4] =	wrdreg $0xC0  }
0xa9: {  	_ =	task [dreg:s6], $0x5FFFF  }
0xaa: {  	[dreg:$0x1] =	wrdreg $0xFFFFFFFF  }
0xab: {  	[dreg:$0x0] =	wrdreg $0x60  }
0xac: {  	[dreg:$0x2] =	wrdreg s0  }
0xad: {  	[dreg:$0x3] =	wrdreg s17  }
0xae: {  	[dreg:$0x4] =	wrdreg $0x9  }
0xaf: {  	_ =	task.clear_ibuf [dreg:s6], $0x5FFFF;
	_ =	strace $0x90000046  }
0xb0: {  	s26 =	simm.s32 $0x9;
	_ =	strace $0x80000048  }
0xb1: {  	_ =	swait.ge [sflag:s26], $0x1  }
0xb2: {  	[sflag:s26] =	ssyncadd.s32 $0xFFFFFFFF  }
0xb3: {  	_ =	strace $0x90000048  }
0xb4: {  	_ =	sfence  }
0xb5: {  	s28 =	sld [smem:$0x0];
	_ =	sdelay $0x1  }
0xb6: {  	s29 =	srdreg.scid  }
0xb7: {  	s30 =	sshll.u32 s29, $0xD;
	s31 =	sshrl.u32 s29, $0x2  }
0xb8: {  	s1 =	sand.u32 $0x1, s29;
	s2 =	sand.u32 $0x4000, s30;
	s0 =	sadd.s32 s31, s28  }
0xb9: {  	s1 =	sor.u32 s2, s1;
	s0 =	sshll.u32 s0, $0x11  }
0xba: {  	s0 =	sor.u32 s0, s1  }
0xbb: {  	s0 =	sadd.s32 $0x8F2B, s0  }
0xbc: {  	[sflag:s0] =	ssyncadd.remote.s32 $0x1  }
0xbd: {  	_ =	sfence.sel $0xFFFF  }
0xbe: {  	[dreg:$0x0] =	wrdreg $0xFFFFFFFF;
	(pc) =	sbr.abs _section_cstart, $3  }
0xbf: {  	[dreg:$0x1] =	wrdreg $0xFFFFFFFF  }
0xc0: {  	_ =	task.clear_ibuf [dreg:s6], $0x2FFFF;
	_ =	strace $0x9FFFFFFF  }
0xc1: {  	(tm) =	ssettm $0x7FFFFFFF  }
tec
execute0_lowered:
.L_overlay_start_1:
0x0: {  	(tag) =	ssettag $0x1  }
0x1: {  	s3 =	stileid.u32  }
0x2: {  	p0 =	sne.s32 s3, $0x0  }
.Ltmp0:
0x3: {  	_ = 	snop;
	(pc) =	sbr.rel @p0 .LBB2_2-.Ltmp0, $4  }
0x4: {  	_ = 	snop  }
0x5: {  	s2 =	rddreg [dreg:$0x0]  }
0x6: {  	s1 =	rddreg [dreg:$0x1]  }
0x7: {  	s0 =	rddreg [dreg:$0x2];
	_ =	strace $0x80000047  }
0x8: {  	s3 =	simm.s32 $0x0;
	s31 =	simm.s32 $0x1  }
0x9: {  	[tilespmem:s3], [sflag:$0x1] =	stream.linear.gather [hbm4b:s2+s3], $0x80, $0x38;
	[tilespmem:$0x100] =	vst v63  }
0xa: {  	v0 =	vimm.s32 $0xEFCDAB89;
	v1 =	vimm.s32 $0x67452301;
	_ =	swait.ge [sflag:s31], $0x80  }
0xb: {  	v0 =	vunpack.c.l.s4.s8 v0;
	v1 =	vunpack.c.l.s4.s8 v1;
	[sflag:s31] =	ssyncset.done $0x0  }
0xc: {  	v2 =	vimm.s32 $0xDCFE98BA;
	[sflag:s31] =	ssyncadd.s32 $0xFFFFFF80  }
0xd: {  	v4 =	vimm.s32 $0x54761032;
	v0 =	vunpack.c.0.s8.s32 v0;
	v1 =	vunpack.c.0.s8.s32 v1;
	v3 =	vld [tilespmem:$0x0]  }
0xe: {  	v2 =	vunpack.c.l.s4.s8 v2;
	v4 =	vunpack.c.l.s4.s8 v4  }
0xf: {  	v45 =	vimm.s32 $0xBA98FEDC;
	v0 =	vcombine.low v1, v0  }
0x10: {  	v5 =	vimm.s32 $0x32107654;
	v43 =	vunpack.c.0.s8.s32 v2;
	v44 =	vunpack.c.0.s8.s32 v4  }
0x11: {  	v5 =	vunpack.c.l.s4.s8 v5;
	v4 =	vunpack.c.l.s4.s8 v45;
	v0 =	vand.u32 $0xF, v0  }
0x12: {  	v1 =	vcombine.low v44, v43;
	v6 =	vperm.xlane v3, v0  }
0x13: {  	v47 =	vunpack.c.0.s8.s32 v5;
	v46 =	vunpack.c.0.s8.s32 v4  }
0x14: {  	v1 =	vand.u32 $0xF, v1;
	v48 =	vmax.f32 v3, v6  }
0x15: {  	v2 =	vcombine.low v47, v46;
	v6 =	vperm.xlane v48, v1;
	_ =	sdelay $0x1  }
0x16: {  	v2 =	vand.u32 $0xF, v2;
	v49 =	vmax.f32 v48, v6  }
0x17: {  	v5 =	vperm.xlane v49, v2;
	_ =	sdelay $0x1  }
0x18: {  	v4 =	vmax.f32 v49, v5  }
0x19: {  	v50 =	vlaneseq.u32;
	vm0 =	veq.f32 v3, v4  }
0x1a: {  	v51 =	vnsel vm0, $0x63, v50  }
0x1b: {  	v52 =	vperm.xlane v51, v0;
	_ =	sdelay $0x1  }
0x1c: {  	vm0 =	vlt.s32 v51, v52  }
0x1d: {  	v5 =	vsel vm0, v51, v52  }
0x1e: {  	v6 =	vperm.xlane v5, v1;
	_ =	sdelay $0x1  }
0x1f: {  	vm0 =	vlt.s32 v5, v6  }
0x20: {  	v5 =	vsel vm0, v5, v6  }
0x21: {  	v6 =	vperm.xlane v5, v2;
	_ =	sdelay $0x1  }
0x22: {  	vm0 =	vlt.s32 v5, v6  }
0x23: {  	v5 =	vsel vm0, v5, v6  }
0x24: {  	vm0 =	veq.s32 v5, v50  }
0x25: {  	v3 =	vsel vm0, $0xFF800000, v3  }
0x26: {  	v53 =	vperm.xlane v3, v0;
	_ =	sdelay $0x1  }
0x27: {  	v6 =	vmax.f32 v3, v53  }
0x28: {  	v7 =	vperm.xlane v6, v1;
	_ =	sdelay $0x1  }
0x29: {  	v6 =	vmax.f32 v6, v7  }
0x2a: {  	v7 =	vperm.xlane v6, v2;
	_ =	sdelay $0x1  }
0x2b: {  	v6 =	vmax.f32 v6, v7  }
0x2c: {  	vm0 =	veq.f32 v3, v6  }
0x2d: {  	v3 =	vnsel vm0, $0x63, v50  }
0x2e: {  	v0 =	vperm.xlane v3, v0;
	_ =	sdelay $0x1  }
0x2f: {  	vm0 =	vlt.s32 v3, v0  }
0x30: {  	v0 =	vsel vm0, v3, v0  }
0x31: {  	v1 =	vperm.xlane v0, v1;
	_ =	sdelay $0x1  }
0x32: {  	vm0 =	vlt.s32 v0, v1  }
0x33: {  	v0 =	vsel vm0, v0, v1  }
0x34: {  	v1 =	vperm.xlane v0, v2  }
0x35: {  	v54 =	vshrl.u32 v50, $0x3  }
0x36: {  	v2 =	vmul.u32 $0xFFFFFFF8, v54;
	vm0 =	vlt.s32 v0, v1  }
0x37: {  	v0 =	vsel vm0, v0, v1  }
0x38: {  	v56 =	vimm.s32 $0x0;
	v55 =	vadd.s32 v2, v5;
	v0 =	vadd.s32 v2, v0  }
0x39: {  	v59 =	vimm.s32 $0x8;
	v57 =	vperm.xlane v55, v56;
	v58 =	vperm.xlane v0, v56  }
0x3a: {  	v1 =	vperm.xlane v55, v59  }
0x3b: {  	v0 =	vperm.xlane v0, v59;
	vm13 =	veq.s32 v57, v50;
	vm1 =	veq.s32 v58, v50  }
0x3c: {  	vm14 =	veq.s32 v1, v50;
	v3 =	vsel vm13, $0x1, v56;
	v5 =	vsel vm1, $0x1, v56  }
0x3d: {  	v61 =	vsel vm14, $0x1, v56;
	vm15 =	veq.s32 v0, v50;
	v60 =	vadd.s32 v3, v5  }
0x3e: {  	v63 =	vsel vm15, $0x1, v56;
	v62 =	vadd.s32 v61, v60  }
0x3f: {  	v0 =	vadd.s32 v63, v62  }
0x40: {  	s4 =	simm.s32 $0x80;
	[tilespmem:$0x80] =	vst v0  }
0x41: {  	[hbm4b:s1+s3] =	stream.linear.scatter [tilespmem:s4], [sflag:$0x1], $0x8, $0x38;
	[tilespmem:$0x100] =	vst v63  }
0x42: {  	_ =	swait.ge [sflag:s31], $0x8  }
0x43: {  	[sflag:s31] =	ssyncset.done $0x0  }
0x44: {  	[sflag:s31] =	ssyncadd.s32 $0xFFFFFFF8  }
.LBB2_2:
0x45: {  	_ =	sfence.sel $0x180000  }
0x46: {  	[bflag:$0x0] =	sbarrier.arrive $0xFFFF  }
0x47: {  	_ =	strace $0x90000047  }
0x48: {  	s0 =	sadd.s32 @!p0 $0x100000, s0;
	[bflag:$0x2] =	sbarrier.arrive $0xFFFF  }
0x49: {  	[sflag:s0] =	ssyncadd.tile.s32 @!p0 $0x1;
	_ =	shalt  }
.Lfunc_end2:
_tile_overlayer_lowered:
.L_overlay_start_2:
0x4a: {  	(tag) =	ssettag $0x2  }
0x4b: {  	s0 =	rddreg [dreg:$0x0];
	s2 =	stileid.u32  }
0x4c: {  	s1 =	rddreg [dreg:$0x1];
	p0 =	sne.s32 s2, $0x0  }
0x4d: {  	s3 =	rddreg [dreg:$0x2];
	[bflag:$0x3] =	sbarrier.arrive $0xFFFF;
	s2 =	simm.s32 @!p0 $0x1C01  }
0x4e: {  	[timem:s3], [sflag:s2] =	dma.local @!p0 [hbm:s0], s1  }
0x4f: {  	s0 =	simm.s32 @!p0 $0x1  }
0x50: {  	_ =	swait.ge @!p0 [sflag:s0], s1  }
0x51: {  	s1 =	ssub.s32 @!p0 $0x0, s1;
	[sflag:s0] =	ssyncset.done @!p0 $0x0  }
0x52: {  	[sflag:s0] =	ssyncadd.s32 @!p0 s1  }
0x53: {  	[bflag:$0x3] =	sbarrier.arrive $0xFFFF  }
0x54: {  	_ =	shalt  }

</sc_bundles>
